<compile_context>
chip_gen: v7x
topology: tpu7x:2x2x1
jax: 0.10.2.dev20260603
libtpu: 0.0.44.dev20260713+nightly
codegen_flags: <defaults>
</compile_context>

<pallas_src>
import functools

import jax
import jax.numpy as jnp
from jax import lax
from jax.experimental import pallas as pl
from jax.experimental.pallas import tpu as pltpu
from jax.experimental.pallas import tpu_sc as plsc

BATCH = 32
TIME = 2048
FINAL_SIZE = 65536
STEP = FINAL_SIZE // TIME
L = 16

CHUNK = 8192
NCHUNK = FINAL_SIZE // CHUNK
VALS_PER_CHUNK = CHUNK // STEP
VREGS_PER_CHUNK = VALS_PER_CHUNK // L

_MESH = plsc.VectorSubcoreMesh(core_axis_name="c", subcore_axis_name="s")


@functools.partial(
    pl.kernel,
    out_type=jax.ShapeDtypeStruct((BATCH, 1, FINAL_SIZE), jnp.float32),
    mesh=_MESH,
    compiler_params=pltpu.CompilerParams(
        needs_layout_passes=False,
        disable_bounds_checks=True,
        skip_device_barrier=True,
    ),
    scratch_types=[
        pltpu.VMEM((TIME,), jnp.float32),
        pltpu.VMEM((CHUNK,), jnp.float32),
        pltpu.VMEM((CHUNK,), jnp.float32),
        pltpu.SemaphoreType.DMA,
        pltpu.SemaphoreType.DMA,
        pltpu.SemaphoreType.DMA,
    ],
)
def _impulse_sc(x_hbm, out_hbm, row_v, buf0, buf1, sem_in, sem0, sem1):
    wid = lax.axis_index("s") * 2 + lax.axis_index("c")

    in_h = pltpu.async_copy(x_hbm.at[wid], row_v, sem_in)

    zeros = jnp.zeros((L,), jnp.float32)

    @plsc.parallel_loop(0, CHUNK, L, unroll=4)
    def _(i):
        buf0[pl.ds(i, L)] = zeros
        buf1[pl.ds(i, L)] = zeros

    in_h.wait()

    mx16 = plsc.parallel_loop(
        0, TIME, L, unroll=4, carry=jnp.full((L,), -jnp.inf, jnp.float32)
    )(lambda i, acc: jnp.maximum(acc, row_v[pl.ds(i, L)]))
    mx = jnp.max(mx16)

    def exp_body(i, acc):
        e = jnp.exp(row_v[pl.ds(i, L)] - mx)
        row_v[pl.ds(i, L)] = e
        return acc + e

    s16 = plsc.parallel_loop(
        0, TIME, L, unroll=4, carry=jnp.zeros((L,), jnp.float32)
    )(exp_body)
    inv = jnp.full((L,), 1.0, jnp.float32) / (
        jnp.zeros((L,), jnp.float32) + jnp.sum(s16)
    )

    lane32 = lax.iota(jnp.int32, L) * STEP

    bufs = (buf0, buf1)
    sems = (sem0, sem1)

    def pair_body(p, _):
        for b in range(2):
            c = 2 * p + b
            buf = bufs[b]
            sem = sems[b]

            @pl.when(p > 0)
            def _():
                pltpu.make_async_copy(
                    buf, out_hbm.at[wid, 0, pl.ds((c - 2) * CHUNK, CHUNK)], sem
                ).wait()

            vbase = c * VALS_PER_CHUNK

            @plsc.parallel_loop(0, VALS_PER_CHUNK, L, unroll=2)
            def _(j):
                vals = row_v[pl.ds(vbase + j, L)] * inv
                plsc.store_scatter(buf, [lane32 + j * STEP], vals)

            pltpu.async_copy(
                buf, out_hbm.at[wid, 0, pl.ds(c * CHUNK, CHUNK)], sem
            )
        return 0

    lax.fori_loop(0, NCHUNK // 2, pair_body, 0)

    for b in range(2):
        c = NCHUNK - 2 + b
        pltpu.make_async_copy(
            bufs[b], out_hbm.at[wid, 0, pl.ds(c * CHUNK, CHUNK)], sems[b]
        ).wait()


def kernel(x):
    return _impulse_sc(x)

# --- scband reference (transcript-rebuilt; emitter-appended) ---
"""Pipeline reference for scband-impulse-generator-15779709845961 (READ-ONLY COPY).

The authoritative reference and input builder live on the scoring server;
editing this copy changes nothing except your own understanding.
"""

import jax, jax.numpy as jnp
import numpy as np

FINAL_SIZE = 65536

def setup_inputs(seed: int = 0) -> dict:
    key = jax.random.key(seed)
    x = jax.random.normal(key, (32, 2048), dtype=jnp.float32)
    return {"x": x}

def reference(x):
    batch, time = x.shape
    xr = x.reshape(batch, 1, time)
    xs = jax.nn.softmax(xr, axis=-1)
    step = FINAL_SIZE // time
    output = jnp.zeros((batch, 1, FINAL_SIZE), dtype=xs.dtype)
    output = output.at[:, :, ::step].set(xs)
    return output

if __name__ == "__main__":
    import jax
    _d = setup_inputs()
    print(jax.jit(kernel)(*tuple(_d.values())))

</pallas_src>

<mosaic_0001>
#map = affine_map<(d0, d1) -> (0, 0)>
#map1 = affine_map<(d0, d1) -> (0, 0, 0)>
module attributes {stable_mosaic.version = 14 : i64} {
  func.func @_impulse_sc(%arg0: i32, %arg1: i32, %arg2: memref<32x2048xf32, #tpu.memory_space<hbm>>, %arg3: memref<32x1x65536xf32, #tpu.memory_space<hbm>>, %arg4: memref<2048xf32, #tpu.memory_space<vmem>>, %arg5: memref<8192xf32, #tpu.memory_space<vmem>>, %arg6: memref<8192xf32, #tpu.memory_space<vmem>>, %arg7: memref<!tpu.dma_semaphore, #tpu.memory_space<semaphore_mem>>, %arg8: memref<!tpu.dma_semaphore, #tpu.memory_space<semaphore_mem>>, %arg9: memref<!tpu.dma_semaphore, #tpu.memory_space<semaphore_mem>>) attributes {dimension_semantics = [#tpu.dimension_semantics<core_parallel>, #tpu.dimension_semantics<subcore_parallel>], iteration_bounds = array<i64: 2, 16>, scalar_prefetch = 0 : i64, scratch_operands = 6 : i64, tpu.core_type = #tpu.core_type<sc_vector_subcore>, window_params = [{transform_indices = #map}, {transform_indices = #map1}]} {
    %mul3A = arith.constant 2 : i32
    %mul3A_0 = arith.muli %arg1, %mul3A : i32
    %add3A = arith.addi %mul3A_0, %arg0 : i32
    %dma_start3A = arith.constant 0 : i32
    %dma_start3A_1 = tpu.memref_slice %arg2[%add3A, %dma_start3A] : memref<32x2048xf32, #tpu.memory_space<hbm>> -> memref<1x2048xf32, #tpu.memory_space<hbm>>
    %dma_start3A_2 = tpu.memref_squeeze %dma_start3A_1 : memref<1x2048xf32, #tpu.memory_space<hbm>> -> memref<2048xf32, #tpu.memory_space<hbm>>
    %dma_start3A_3 = arith.constant 0 : i32
    %dma_start3A_4 = tpu.memref_slice %arg2[%add3A, %dma_start3A_3] : memref<32x2048xf32, #tpu.memory_space<hbm>> -> memref<1x2048xf32, #tpu.memory_space<hbm>>
    %dma_start3A_5 = tpu.memref_squeeze %dma_start3A_4 : memref<1x2048xf32, #tpu.memory_space<hbm>> -> memref<2048xf32, #tpu.memory_space<hbm>>
    tpu.enqueue_dma source(%dma_start3A_5 : memref<2048xf32, #tpu.memory_space<hbm>>) target(%arg4 : memref<2048xf32, #tpu.memory_space<vmem>>) target_semaphore(%arg7 : memref<!tpu.dma_semaphore, #tpu.memory_space<semaphore_mem>>)
    %broadcast_in_dim3A = arith.constant 0.000000e+00 : f32
    %broadcast_in_dim3A_6 = vector.broadcast %broadcast_in_dim3A : f32 to vector<16xf32>
    %parallel_loop3A = arith.constant 0 : i32
    %parallel_loop3A_7 = arith.constant 8192 : i32
    %parallel_loop3A_8 = arith.constant 16 : i32
    scf.for %parallel_loop3A_61 = %parallel_loop3A to %parallel_loop3A_7 step %parallel_loop3A_8  : i32 {
      %parallel_loop3A_62 = arith.index_cast %parallel_loop3A_61 : i32 to index
      %parallel_loop3A_63 = tpu.vector_load %arg5[%parallel_loop3A_62] {strides = array<i32>} : memref<8192xf32, #tpu.memory_space<vmem>>, vector<16xf32>,
      tpu.vector_store %arg5[%parallel_loop3A_62], %broadcast_in_dim3A_6 {strides = array<i32>} : memref<8192xf32, #tpu.memory_space<vmem>>, vector<16xf32>,
      %parallel_loop3A_64 = arith.index_cast %parallel_loop3A_61 : i32 to index
      %parallel_loop3A_65 = tpu.vector_load %arg6[%parallel_loop3A_64] {strides = array<i32>} : memref<8192xf32, #tpu.memory_space<vmem>>, vector<16xf32>,
      tpu.vector_store %arg6[%parallel_loop3A_64], %broadcast_in_dim3A_6 {strides = array<i32>} : memref<8192xf32, #tpu.memory_space<vmem>>, vector<16xf32>,
    } {sc.loop_unroll_factor = 4 : i64, sc.parallel_access}
    %dma_wait3A = arith.constant 0 : i32
    %dma_wait3A_9 = tpu.memref_slice %arg2[%add3A, %dma_wait3A] : memref<32x2048xf32, #tpu.memory_space<hbm>> -> memref<1x2048xf32, #tpu.memory_space<hbm>>
    %dma_wait3A_10 = tpu.memref_squeeze %dma_wait3A_9 : memref<1x2048xf32, #tpu.memory_space<hbm>> -> memref<2048xf32, #tpu.memory_space<hbm>>
    %dma_wait3A_11 = arith.constant 0 : i32
    %dma_wait3A_12 = tpu.memref_slice %arg2[%add3A, %dma_wait3A_11] : memref<32x2048xf32, #tpu.memory_space<hbm>> -> memref<1x2048xf32, #tpu.memory_space<hbm>>
    %dma_wait3A_13 = tpu.memref_squeeze %dma_wait3A_12 : memref<1x2048xf32, #tpu.memory_space<hbm>> -> memref<2048xf32, #tpu.memory_space<hbm>>
    tpu.wait_dma2 semaphore(%arg7 : memref<!tpu.dma_semaphore, #tpu.memory_space<semaphore_mem>>) src(%dma_wait3A_13 : memref<2048xf32, #tpu.memory_space<hbm>>) dst(%arg4 : memref<2048xf32, #tpu.memory_space<vmem>>)
    %broadcast_in_dim3A_14 = arith.constant 0xFF800000 : f32
    %broadcast_in_dim3A_15 = vector.broadcast %broadcast_in_dim3A_14 : f32 to vector<16xf32>
    %parallel_loop3A_16 = arith.constant 0 : i32
    %parallel_loop3A_17 = arith.constant 2048 : i32
    %parallel_loop3A_18 = arith.constant 16 : i32
    %parallel_loop3A_19 = scf.for %parallel_loop3A_61 = %parallel_loop3A_16 to %parallel_loop3A_17 step %parallel_loop3A_18 iter_args(%parallel_loop3A_62 = %broadcast_in_dim3A_15) -> (vector<16xf32>)  : i32 {
      %parallel_loop3A_63 = arith.index_cast %parallel_loop3A_61 : i32 to index
      %parallel_loop3A_64 = tpu.vector_load %arg4[%parallel_loop3A_63] {strides = array<i32>} : memref<2048xf32, #tpu.memory_space<vmem>>, vector<16xf32>,
      %parallel_loop3A_65 = arith.maximumf %parallel_loop3A_62, %parallel_loop3A_64 : vector<16xf32>
      scf.yield %parallel_loop3A_65 : vector<16xf32>
    } {sc.loop_unroll_factor = 4 : i64, sc.parallel_access}
    %reduce_max3A = arith.constant true
    %reduce_max3A_20 = vector.broadcast %reduce_max3A : i1 to vector<16xi1>
    %reduce_max3A_21 = tpu.scan <max>, %parallel_loop3A_19 masked %reduce_max3A_20 : vector<16xf32>, vector<16xi1> -> vector<16xf32>
    %reduce_max3A_22 = vector.extract %reduce_max3A_21[15] : f32 from vector<16xf32>
    %broadcast_in_dim3A_23 = arith.constant 0.000000e+00 : f32
    %broadcast_in_dim3A_24 = vector.broadcast %broadcast_in_dim3A_23 : f32 to vector<16xf32>
    %parallel_loop3A_25 = arith.constant 0 : i32
    %parallel_loop3A_26 = arith.constant 2048 : i32
    %parallel_loop3A_27 = arith.constant 16 : i32
    %parallel_loop3A_28 = scf.for %parallel_loop3A_61 = %parallel_loop3A_25 to %parallel_loop3A_26 step %parallel_loop3A_27 iter_args(%parallel_loop3A_62 = %broadcast_in_dim3A_24) -> (vector<16xf32>)  : i32 {
      %parallel_loop3A_63 = arith.index_cast %parallel_loop3A_61 : i32 to index
      %parallel_loop3A_64 = tpu.vector_load %arg4[%parallel_loop3A_63] {strides = array<i32>} : memref<2048xf32, #tpu.memory_space<vmem>>, vector<16xf32>,
      %parallel_loop3A_65 = vector.broadcast %reduce_max3A_22 : f32 to vector<16xf32>
      %parallel_loop3A_66 = arith.subf %parallel_loop3A_64, %parallel_loop3A_65 : vector<16xf32>
      %parallel_loop3A_67 = math.exp %parallel_loop3A_66 : vector<16xf32>
      %parallel_loop3A_68 = arith.index_cast %parallel_loop3A_61 : i32 to index
      %parallel_loop3A_69 = tpu.vector_load %arg4[%parallel_loop3A_68] {strides = array<i32>} : memref<2048xf32, #tpu.memory_space<vmem>>, vector<16xf32>,
      tpu.vector_store %arg4[%parallel_loop3A_68], %parallel_loop3A_67 {strides = array<i32>} : memref<2048xf32, #tpu.memory_space<vmem>>, vector<16xf32>,
      %parallel_loop3A_70 = arith.addf %parallel_loop3A_62, %parallel_loop3A_67 : vector<16xf32>
      scf.yield %parallel_loop3A_70 : vector<16xf32>
    } {sc.loop_unroll_factor = 4 : i64, sc.parallel_access}
    %broadcast_in_dim3A_29 = arith.constant 1.000000e+00 : f32
    %broadcast_in_dim3A_30 = vector.broadcast %broadcast_in_dim3A_29 : f32 to vector<16xf32>
    %broadcast_in_dim3A_31 = arith.constant 0.000000e+00 : f32
    %broadcast_in_dim3A_32 = vector.broadcast %broadcast_in_dim3A_31 : f32 to vector<16xf32>
    %reduce_sum3A = arith.constant true
    %reduce_sum3A_33 = vector.broadcast %reduce_sum3A : i1 to vector<16xi1>
    %reduce_sum3A_34 = tpu.scan <sum>, %parallel_loop3A_28 masked %reduce_sum3A_33 : vector<16xf32>, vector<16xi1> -> vector<16xf32>
    %reduce_sum3A_35 = vector.extract %reduce_sum3A_34[15] : f32 from vector<16xf32>
    %add3A_36 = vector.broadcast %reduce_sum3A_35 : f32 to vector<16xf32>
    %add3A_37 = arith.addf %broadcast_in_dim3A_32, %add3A_36 : vector<16xf32>
    %div3A = arith.divf %broadcast_in_dim3A_30, %add3A_37 : vector<16xf32>
    %iota3A = tpu.iota {dimensions = array<i32: 0>} : vector<16xi32>
    %mul3A_38 = arith.constant 32 : i32
    %mul3A_39 = vector.broadcast %mul3A_38 : i32 to vector<16xi32>
    %mul3A_40 = arith.muli %iota3A, %mul3A_39 : vector<16xi32>
    %scan3A = arith.constant 0 : i32
    %scan3A_41 = arith.constant 0 : i32
    %scan3A_42 = arith.constant 4 : i32
    %scan3A_43 = arith.addi %scan3A_41, %scan3A_42 : i32
    %scan3A_44 = arith.constant 1 : i32
    %scan3A_45 = scf.for %scan3A_61 = %scan3A_41 to %scan3A_43 step %scan3A_44 iter_args(%scan3A_62 = %scan3A) -> (i32)  : i32 {
      %mul3A_63 = arith.constant 2 : i32
      %mul3A_64 = arith.muli %mul3A_63, %scan3A_61 : i32
      %add3A_65 = arith.constant 0 : i32
      %add3A_66 = arith.addi %mul3A_64, %add3A_65 : i32
      %gt3A = arith.constant 0 : i32
      %gt3A_67 = arith.cmpi sgt, %scan3A_61, %gt3A : i32
      %convert_element_type3A = arith.extui %gt3A_67 : i1 to i32
      %cond3A = arith.constant 0 : i32
      %cond3A_68 = arith.cmpi ne, %convert_element_type3A, %cond3A : i32
      scf.if %cond3A_68 {
        %sub3A = arith.constant 2 : i32
        %sub3A_103 = arith.subi %add3A_66, %sub3A : i32
        %mul3A_104 = arith.constant 8192 : i32
        %mul3A_105 = arith.muli %sub3A_103, %mul3A_104 : i32
        %dma_wait3A_106 = arith.constant 0 : i32
        %dma_wait3A_107 = tpu.memref_slice %arg3[%add3A, %dma_wait3A_106, %mul3A_105] : memref<32x1x65536xf32, #tpu.memory_space<hbm>> -> memref<1x1x8192xf32, #tpu.memory_space<hbm>>
        %dma_wait3A_108 = tpu.memref_squeeze %dma_wait3A_107 : memref<1x1x8192xf32, #tpu.memory_space<hbm>> -> memref<8192xf32, #tpu.memory_space<hbm>>
        %dma_wait3A_109 = tpu.memref_slice %arg3[%add3A, %dma_wait3A_106, %mul3A_105] : memref<32x1x65536xf32, #tpu.memory_space<hbm>> -> memref<1x1x8192xf32, #tpu.memory_space<hbm>>
        %dma_wait3A_110 = tpu.memref_squeeze %dma_wait3A_109 : memref<1x1x8192xf32, #tpu.memory_space<hbm>> -> memref<8192xf32, #tpu.memory_space<hbm>>
        tpu.wait_dma2 semaphore(%arg8 : memref<!tpu.dma_semaphore, #tpu.memory_space<semaphore_mem>>) src(%arg5 : memref<8192xf32, #tpu.memory_space<vmem>>) dst(%dma_wait3A_110 : memref<8192xf32, #tpu.memory_space<hbm>>)
      } else {
      }
      %mul3A_69 = arith.constant 256 : i32
      %mul3A_70 = arith.muli %add3A_66, %mul3A_69 : i32
      %parallel_loop3A_71 = arith.constant 0 : i32
      %parallel_loop3A_72 = arith.constant 256 : i32
      %parallel_loop3A_73 = arith.constant 16 : i32
      scf.for %parallel_loop3A_103 = %parallel_loop3A_71 to %parallel_loop3A_72 step %parallel_loop3A_73  : i32 {
        %parallel_loop3A_104 = arith.addi %mul3A_70, %parallel_loop3A_103 : i32
        %parallel_loop3A_105 = arith.index_cast %parallel_loop3A_104 : i32 to index
        %parallel_loop3A_106 = tpu.vector_load %arg4[%parallel_loop3A_105] {strides = array<i32>} : memref<2048xf32, #tpu.memory_space<vmem>>, vector<16xf32>,
        %parallel_loop3A_107 = arith.mulf %parallel_loop3A_106, %div3A : vector<16xf32>
        %parallel_loop3A_108 = arith.constant 32 : i32
        %parallel_loop3A_109 = arith.muli %parallel_loop3A_103, %parallel_loop3A_108 : i32
        %parallel_loop3A_110 = vector.broadcast %parallel_loop3A_109 : i32 to vector<16xi32>
        %parallel_loop3A_111 = arith.addi %mul3A_40, %parallel_loop3A_110 : vector<16xi32>
        tpu.vector_store_idx %arg5[%parallel_loop3A_111], %parallel_loop3A_107 : memref<8192xf32, #tpu.memory_space<vmem>>[vector<16xi32>], vector<16xf32>,
      } {sc.loop_unroll_factor = 2 : i64, sc.parallel_access}
      %mul3A_74 = arith.constant 8192 : i32
      %mul3A_75 = arith.muli %add3A_66, %mul3A_74 : i32
      %dma_start3A_76 = arith.constant 0 : i32
      %dma_start3A_77 = tpu.memref_slice %arg3[%add3A, %dma_start3A_76, %mul3A_75] : memref<32x1x65536xf32, #tpu.memory_space<hbm>> -> memref<1x1x8192xf32, #tpu.memory_space<hbm>>
      %dma_start3A_78 = tpu.memref_squeeze %dma_start3A_77 : memref<1x1x8192xf32, #tpu.memory_space<hbm>> -> memref<8192xf32, #tpu.memory_space<hbm>>
      %dma_start3A_79 = tpu.memref_slice %arg3[%add3A, %dma_start3A_76, %mul3A_75] : memref<32x1x65536xf32, #tpu.memory_space<hbm>> -> memref<1x1x8192xf32, #tpu.memory_space<hbm>>
      %dma_start3A_80 = tpu.memref_squeeze %dma_start3A_79 : memref<1x1x8192xf32, #tpu.memory_space<hbm>> -> memref<8192xf32, #tpu.memory_space<hbm>>
      tpu.enqueue_dma source(%arg5 : memref<8192xf32, #tpu.memory_space<vmem>>) target(%dma_start3A_80 : memref<8192xf32, #tpu.memory_space<hbm>>) target_semaphore(%arg8 : memref<!tpu.dma_semaphore, #tpu.memory_space<semaphore_mem>>)
      %mul3A_81 = arith.constant 2 : i32
      %mul3A_82 = arith.muli %mul3A_81, %scan3A_61 : i32
      %add3A_83 = arith.constant 1 : i32
      %add3A_84 = arith.addi %mul3A_82, %add3A_83 : i32
      %gt3A_85 = arith.constant 0 : i32
      %gt3A_86 = arith.cmpi sgt, %scan3A_61, %gt3A_85 : i32
      %convert_element_type3A_87 = arith.extui %gt3A_86 : i1 to i32
      %cond3A_88 = arith.constant 0 : i32
      %cond3A_89 = arith.cmpi ne, %convert_element_type3A_87, %cond3A_88 : i32
      scf.if %cond3A_89 {
        %sub3A = arith.constant 2 : i32
        %sub3A_103 = arith.subi %add3A_84, %sub3A : i32
        %mul3A_104 = arith.constant 8192 : i32
        %mul3A_105 = arith.muli %sub3A_103, %mul3A_104 : i32
        %dma_wait3A_106 = arith.constant 0 : i32
        %dma_wait3A_107 = tpu.memref_slice %arg3[%add3A, %dma_wait3A_106, %mul3A_105] : memref<32x1x65536xf32, #tpu.memory_space<hbm>> -> memref<1x1x8192xf32, #tpu.memory_space<hbm>>
        %dma_wait3A_108 = tpu.memref_squeeze %dma_wait3A_107 : memref<1x1x8192xf32, #tpu.memory_space<hbm>> -> memref<8192xf32, #tpu.memory_space<hbm>>
        %dma_wait3A_109 = tpu.memref_slice %arg3[%add3A, %dma_wait3A_106, %mul3A_105] : memref<32x1x65536xf32, #tpu.memory_space<hbm>> -> memref<1x1x8192xf32, #tpu.memory_space<hbm>>
        %dma_wait3A_110 = tpu.memref_squeeze %dma_wait3A_109 : memref<1x1x8192xf32, #tpu.memory_space<hbm>> -> memref<8192xf32, #tpu.memory_space<hbm>>
        tpu.wait_dma2 semaphore(%arg9 : memref<!tpu.dma_semaphore, #tpu.memory_space<semaphore_mem>>) src(%arg6 : memref<8192xf32, #tpu.memory_space<vmem>>) dst(%dma_wait3A_110 : memref<8192xf32, #tpu.memory_space<hbm>>)
      } else {
      }
      %mul3A_90 = arith.constant 256 : i32
      %mul3A_91 = arith.muli %add3A_84, %mul3A_90 : i32
      %parallel_loop3A_92 = arith.constant 0 : i32
      %parallel_loop3A_93 = arith.constant 256 : i32
      %parallel_loop3A_94 = arith.constant 16 : i32
      scf.for %parallel_loop3A_103 = %parallel_loop3A_92 to %parallel_loop3A_93 step %parallel_loop3A_94  : i32 {
        %parallel_loop3A_104 = arith.addi %mul3A_91, %parallel_loop3A_103 : i32
        %parallel_loop3A_105 = arith.index_cast %parallel_loop3A_104 : i32 to index
        %parallel_loop3A_106 = tpu.vector_load %arg4[%parallel_loop3A_105] {strides = array<i32>} : memref<2048xf32, #tpu.memory_space<vmem>>, vector<16xf32>,
        %parallel_loop3A_107 = arith.mulf %parallel_loop3A_106, %div3A : vector<16xf32>
        %parallel_loop3A_108 = arith.constant 32 : i32
        %parallel_loop3A_109 = arith.muli %parallel_loop3A_103, %parallel_loop3A_108 : i32
        %parallel_loop3A_110 = vector.broadcast %parallel_loop3A_109 : i32 to vector<16xi32>
        %parallel_loop3A_111 = arith.addi %mul3A_40, %parallel_loop3A_110 : vector<16xi32>
        tpu.vector_store_idx %arg6[%parallel_loop3A_111], %parallel_loop3A_107 : memref<8192xf32, #tpu.memory_space<vmem>>[vector<16xi32>], vector<16xf32>,
      } {sc.loop_unroll_factor = 2 : i64, sc.parallel_access}
      %mul3A_95 = arith.constant 8192 : i32
      %mul3A_96 = arith.muli %add3A_84, %mul3A_95 : i32
      %dma_start3A_97 = arith.constant 0 : i32
      %dma_start3A_98 = tpu.memref_slice %arg3[%add3A, %dma_start3A_97, %mul3A_96] : memref<32x1x65536xf32, #tpu.memory_space<hbm>> -> memref<1x1x8192xf32, #tpu.memory_space<hbm>>
      %dma_start3A_99 = tpu.memref_squeeze %dma_start3A_98 : memref<1x1x8192xf32, #tpu.memory_space<hbm>> -> memref<8192xf32, #tpu.memory_space<hbm>>
      %dma_start3A_100 = tpu.memref_slice %arg3[%add3A, %dma_start3A_97, %mul3A_96] : memref<32x1x65536xf32, #tpu.memory_space<hbm>> -> memref<1x1x8192xf32, #tpu.memory_space<hbm>>
      %dma_start3A_101 = tpu.memref_squeeze %dma_start3A_100 : memref<1x1x8192xf32, #tpu.memory_space<hbm>> -> memref<8192xf32, #tpu.memory_space<hbm>>
      tpu.enqueue_dma source(%arg6 : memref<8192xf32, #tpu.memory_space<vmem>>) target(%dma_start3A_101 : memref<8192xf32, #tpu.memory_space<hbm>>) target_semaphore(%arg9 : memref<!tpu.dma_semaphore, #tpu.memory_space<semaphore_mem>>)
      %scan3A_102 = arith.constant 0 : i32
      scf.yield %scan3A_102 : i32
    }
    %scan3A_46 = arith.constant 4 : i32
    %dma_wait3A_47 = arith.constant 0 : i32
    %dma_wait3A_48 = arith.constant 49152 : i32
    %dma_wait3A_49 = tpu.memref_slice %arg3[%add3A, %dma_wait3A_47, %dma_wait3A_48] : memref<32x1x65536xf32, #tpu.memory_space<hbm>> -> memref<1x1x8192xf32, #tpu.memory_space<hbm>>
    %dma_wait3A_50 = tpu.memref_squeeze %dma_wait3A_49 : memref<1x1x8192xf32, #tpu.memory_space<hbm>> -> memref<8192xf32, #tpu.memory_space<hbm>>
    %dma_wait3A_51 = arith.constant 49152 : i32
    %dma_wait3A_52 = tpu.memref_slice %arg3[%add3A, %dma_wait3A_47, %dma_wait3A_51] : memref<32x1x65536xf32, #tpu.memory_space<hbm>> -> memref<1x1x8192xf32, #tpu.memory_space<hbm>>
    %dma_wait3A_53 = tpu.memref_squeeze %dma_wait3A_52 : memref<1x1x8192xf32, #tpu.memory_space<hbm>> -> memref<8192xf32, #tpu.memory_space<hbm>>
    tpu.wait_dma2 semaphore(%arg8 : memref<!tpu.dma_semaphore, #tpu.memory_space<semaphore_mem>>) src(%arg5 : memref<8192xf32, #tpu.memory_space<vmem>>) dst(%dma_wait3A_53 : memref<8192xf32, #tpu.memory_space<hbm>>)
    %dma_wait3A_54 = arith.constant 0 : i32
    %dma_wait3A_55 = arith.constant 57344 : i32
    %dma_wait3A_56 = tpu.memref_slice %arg3[%add3A, %dma_wait3A_54, %dma_wait3A_55] : memref<32x1x65536xf32, #tpu.memory_space<hbm>> -> memref<1x1x8192xf32, #tpu.memory_space<hbm>>
    %dma_wait3A_57 = tpu.memref_squeeze %dma_wait3A_56 : memref<1x1x8192xf32, #tpu.memory_space<hbm>> -> memref<8192xf32, #tpu.memory_space<hbm>>
    %dma_wait3A_58 = arith.constant 57344 : i32
    %dma_wait3A_59 = tpu.memref_slice %arg3[%add3A, %dma_wait3A_54, %dma_wait3A_58] : memref<32x1x65536xf32, #tpu.memory_space<hbm>> -> memref<1x1x8192xf32, #tpu.memory_space<hbm>>
    %dma_wait3A_60 = tpu.memref_squeeze %dma_wait3A_59 : memref<1x1x8192xf32, #tpu.memory_space<hbm>> -> memref<8192xf32, #tpu.memory_space<hbm>>
    tpu.wait_dma2 semaphore(%arg9 : memref<!tpu.dma_semaphore, #tpu.memory_space<semaphore_mem>>) src(%arg6 : memref<8192xf32, #tpu.memory_space<vmem>>) dst(%dma_wait3A_60 : memref<8192xf32, #tpu.memory_space<hbm>>)
    return
  }
}

</mosaic_0001>

<sc_bundles>
// kernel: kernel.3.cloned.1.call-start
scs
__scs_entry_jumppad:
0x0: {  	(pc) =	sbr.rel $0x88, $3  }
0x1: {  	(tag) =	ssettag $0x0;
	lr =	simm.s32 $0x1  }
0x2: {  	[smem:$0x3FA0] =	sst lr;
	_ =	strace $0xD0000000  }
0x3: {  	_ = 	snop  }
0x4: {  	_ = 	snop  }
0x5: {  	_ = 	snop  }
0x6: {  	_ = 	snop  }
0x7: {  	_ = 	snop  }
__scs_overlays_trampoline_lowered:
0x8: {  	[smem:$0x3FAF] =	sst s0  }
0x9: {  	[smem:$0x3FB0] =	sst s1  }
0xa: {  	[smem:$0x3FB1] =	sst s2  }
0xb: {  	[smem:$0x3FB2] =	sst s3  }
0xc: {  	[smem:$0x3FB3] =	sst s4  }
0xd: {  	[smem:$0x3FB4] =	sst s5  }
0xe: {  	[smem:$0x3FB5] =	sst s6  }
0xf: {  	[smem:$0x3FB6] =	sst s7  }
0x10: {  	[smem:$0x3FB7] =	sst s8  }
0x11: {  	[smem:$0x3FB8] =	sst s9;
	s0 =	simm.s32 @!p0 $0x0  }
0x12: {  	s1 =	sld [smem:$0x3F9E];
	s0 =	simm.s32 @p0 $0x1  }
0x13: {  	[smem:$0x3FB9] =	sst s0;
	s0 =	simm.s32 @!p1 $0x0  }
0x14: {  	s2 =	sld [smem:$0x3F9D];
	s0 =	simm.s32 @p1 $0x1  }
0x15: {  	[smem:$0x3FBA] =	sst s0;
	s0 =	simm.s32 @!p2 $0x0  }
0x16: {  	s3 =	sld [smem:$0x3FDB];
	s0 =	simm.s32 @p2 $0x1  }
0x17: {  	s4 =	simm.s32 $0x1BF5;
	[smem:$0x3FBC] =	sst s0  }
0x18: {  	s0 =	sld [smem:$0x3F9F];
	_ =	swait.ge [sflag:s4], $0x0  }
0x19: {  	s7 =	sld [smem:$0x3FA0]  }
0x1a: {  	s8 =	sadd.s32 $0xFFFFE003, lr  }
0x1b: {  	s9 =	sadd.s32 $0xFFFFFEF7, lr;
	s5 =	simm.s32 $0xFFFFFFFF;
	p2 =	slt.u32 s8, $0xFFFFF086  }
0x1c: {  	p1 =	slt.u32 s9, $0xF7A;
	s5 =	simm.s32 @!p2 $0x0  }
0x1d: {  	s5 =	simm.s32 @p1 $0x1;
	p0 =	seq.s32 s7, s2  }
0x1e: {  	s7 =	smul.u32 @!p0 $0xF7A, s2;
	p2 =	seq.s32 @!p0 s5, $0x0  }
0x1f: {  	s9 =	smul.u32 $0xF7A, s1;
	s8 =	simm.s32 @!p0 $0x1BF5;
	p2 =	por !p2, p0  }
0x20: {  	[sflag:s8] =	ssyncset.s32 @!p0 $0xFFFFF086;
	s6 =	sadd.s32 @!p0 s3, s7;
	s7 =	simm.s32 @!p0 $0x108  }
0x21: {  	s3 =	sadd.s32 s3, s9;
	s6 =	sadd.s32 @!p0 $0x88, s6;
	s7 =	simm.s32 @p2 $0x1082  }
0x22: {  	[simem:s7], [sflag:s8] =	dma.local @!p0 [hbm:s6], $0xF7A  }
0x23: {  	s9 =	sor.u32 $0xD0000000, s2;
	s6 =	simm.s32 $0x108;
	_ =	swait.ge @!p0 [sflag:s8], $0x0  }
0x24: {  	s3 =	sadd.s32 $0x88, s3;
	s6 =	simm.s32 @!p1 $0x1082;
	[sflag:s4] =	ssyncset.s32 $0xFFFFF086  }
0x25: {  	[simem:s6], [sflag:s4] =	dma.local [hbm:s3], $0xF7A  }
0x26: {  	[smem:$0x3FA0] =	sst s1;
	(tag) =	ssettag s2;
	_ =	strace s9  }
0x27: {  	s1 =	sld [smem:$0x3FB0]  }
0x28: {  	s2 =	sld [smem:$0x3FB1]  }
0x29: {  	s4 =	sld [smem:$0x3FB3]  }
0x2a: {  	p0 =	seq.s32 s5, $0x0;
	s5 =	sld [smem:$0x3FB4]  }
0x2b: {  	s6 =	sld [smem:$0x3FB5]  }
0x2c: {  	s7 =	sld [smem:$0x3FB6]  }
0x2d: {  	s3 =	simm.s32 $0x108;
	s8 =	sld [smem:$0x3FB7]  }
0x2e: {  	s3 =	simm.s32 @!p0 $0x1082;
	s9 =	sld [smem:$0x3FB8]  }
0x2f: {  	lr =	sadd.s32 s0, s3;
	s0 =	sld [smem:$0x3FAF]  }
0x30: {  	s3 =	sld [smem:$0x3FB2]  }
0x31: {  	[smem:$0x3FBB] =	sst s10  }
0x32: {  	s10 =	sld [smem:$0x3FB9];
	_ =	sdelay $0x3  }
0x33: {  	p0 =	seq.s32 s10, $0x1;
	s10 =	sld [smem:$0x3FBB];
	_ =	sdelay $0x3  }
0x34: {  	[smem:$0x3FBB] =	sst s10  }
0x35: {  	s10 =	sld [smem:$0x3FBA];
	_ =	sdelay $0x3  }
0x36: {  	p1 =	seq.s32 s10, $0x1;
	s10 =	sld [smem:$0x3FBB];
	_ =	sdelay $0x3  }
0x37: {  	[smem:$0x3FBB] =	sst s10  }
0x38: {  	s10 =	sld [smem:$0x3FBC]  }
0x39: {  	_ = 	snop;
	(pc) =	sbr.ind lr, $3  }
0x3a: {  	_ = 	snop  }
0x3b: {  	_ = 	snop  }
0x3c: {  	p2 =	seq.s32 s10, $0x1;
	s10 =	sld [smem:$0x3FBB]  }
0x3d: {  	_ =	shalt  }
0x3e: {  	_ =	shalt  }
0x3f: {  	_ =	shalt  }
0x40: {  	_ =	shalt  }
0x41: {  	_ =	shalt  }
0x42: {  	_ =	shalt  }
0x43: {  	_ =	shalt  }
0x44: {  	_ =	shalt  }
0x45: {  	_ =	shalt  }
0x46: {  	_ =	shalt  }
0x47: {  	_ =	shalt  }
0x48: {  	_ =	shalt  }
0x49: {  	_ =	shalt  }
0x4a: {  	_ =	shalt  }
0x4b: {  	_ =	shalt  }
0x4c: {  	_ =	shalt  }
0x4d: {  	_ =	shalt  }
0x4e: {  	_ =	shalt  }
0x4f: {  	_ =	shalt  }
0x50: {  	_ =	shalt  }
0x51: {  	_ =	shalt  }
0x52: {  	_ =	shalt  }
0x53: {  	_ =	shalt  }
0x54: {  	_ =	shalt  }
0x55: {  	_ =	shalt  }
0x56: {  	_ =	shalt  }
0x57: {  	_ =	shalt  }
0x58: {  	_ =	shalt  }
0x59: {  	_ =	shalt  }
0x5a: {  	_ =	shalt  }
0x5b: {  	_ =	shalt  }
0x5c: {  	_ =	shalt  }
0x5d: {  	_ =	shalt  }
0x5e: {  	_ =	shalt  }
0x5f: {  	_ =	shalt  }
0x60: {  	_ =	shalt  }
0x61: {  	_ =	shalt  }
0x62: {  	_ =	shalt  }
0x63: {  	_ =	shalt  }
0x64: {  	_ =	shalt  }
0x65: {  	_ =	shalt  }
0x66: {  	_ =	shalt  }
0x67: {  	_ =	shalt  }
0x68: {  	_ =	shalt  }
0x69: {  	_ =	shalt  }
0x6a: {  	_ =	shalt  }
0x6b: {  	_ =	shalt  }
0x6c: {  	_ =	shalt  }
0x6d: {  	_ =	shalt  }
0x6e: {  	_ =	shalt  }
0x6f: {  	_ =	shalt  }
0x70: {  	_ =	shalt  }
0x71: {  	_ =	shalt  }
0x72: {  	_ =	shalt  }
0x73: {  	_ =	shalt  }
0x74: {  	_ =	shalt  }
0x75: {  	_ =	shalt  }
0x76: {  	_ =	shalt  }
0x77: {  	_ =	shalt  }
0x78: {  	_ =	shalt  }
0x79: {  	_ =	shalt  }
0x7a: {  	_ =	shalt  }
0x7b: {  	_ =	shalt  }
0x7c: {  	_ =	shalt  }
0x7d: {  	_ =	shalt  }
0x7e: {  	_ =	shalt  }
0x7f: {  	_ =	shalt  }
0x80: {  	_ =	shalt  }
0x81: {  	_ =	shalt  }
0x82: {  	_ =	shalt  }
0x83: {  	_ =	shalt  }
0x84: {  	_ =	shalt  }
0x85: {  	_ =	shalt  }
0x86: {  	_ =	shalt  }
0x87: {  	_ =	shalt  }
.Lfunc_end0:
.L_simem_size_0:
called_computation_lowered:
.L_overlay_start_0:
0x88: {  	s2 =	sld [smem:$0x3FD9]  }
0x89: {  	s3 =	sld [smem:$0x3FFE];
	_ =	sdelay $0x1  }
0x8a: {  	s1 =	srdreg.scid  }
0x8b: {  	s0 =	sand.u32 $0x1, s1  }
0x8c: {  	s18 =	sshll.u32 s0, $0xA;
	s2 =	sadd.s32 s3, s2  }
0x8d: {  	s2 =	sadd.s32 s2, s18  }
0x8e: {  	[smem:$0x3FC7] =	sst s2  }
0x8f: {  	_ = 	snop  }
0x90: {  	s2 =	sld [smem:$0x3FC9]  }
0x91: {  	s19 =	sld [smem:$0x3FD0];
	(tm) =	ssettm $0x1  }
0x92: {  	s4 =	sld [smem:$0x3FFB];
	_ =	sdelay $0x3  }
0x93: {  	_ =	strace s4  }
0x94: {  	s4 =	sld [smem:$0x3FFC];
	_ =	sdelay $0x3  }
0x95: {  	_ =	strace s4  }
0x96: {  	s4 =	sld [smem:$0x3FFD];
	_ =	sdelay $0x3  }
0x97: {  	_ =	strace s4  }
0x98: {  	_ =	strace $0x8FFFFFFF  }
0x99: {  	s20 =	sld [smem:$0x3FDB];
	_ =	sdelay $0x1  }
0x9a: {  	s5 =	simm.s32 $_scs_section_size  }
0x9b: {  	s6 =	simm.s32 $_size__tile_overlayer_lowered;
	s7 =	simm.s32 $_tile_overlayer_lowered  }
0x9c: {  	s23 =	simm.s32 $0x1BFF;
	s22 =	sshll.u32 s7, $0x1;
	s4 =	sadd.s32 s5, s20  }
0x9d: {  	s8 =	simm.s32 $0x0;
	s21 =	sshll.u32 s6, $0x1;
	s6 =	sadd.s32 s22, s4  }
0x9e: {  	[timem:s8], [sflag:s23] =	dma.local [hbm:s6], s21  }
0x9f: {  	_ =	swait.ge [sflag:s23], s21  }
0xa0: {  	s5 =	ssub.s32 $0x0, s21;
	[sflag:s23] =	ssyncset.done $0x0  }
0xa1: {  	[sflag:s23] =	ssyncadd.s32 s5;
	_ =	sdelay $0x1  }
0xa2: {  	s24 =	simm.s32 $0x1B8B  }
0xa3: {  	_ =	swait.ge [sflag:s24], $0x1  }
0xa4: {  	[sflag:s24] =	ssyncset.done $0x0  }
0xa5: {  	s25 =	simm.s32 $0x1B8E;
	[sflag:s24] =	ssyncadd.s32 $0xFFFFFFFF  }
0xa6: {  	s26 =	simm.s32 $execute0_lowered;
	[smem:$0x3FD2] =	sst s25  }
0xa7: {  	s5 =	sshll.u32 s26, $0x1;
	_ =	strace $0x80000046;
	[dreg:$0x1] =	wrdreg $0xFFFFFFFF  }
0xa8: {  	s28 =	simm.s32 $_size_execute0_lowered;
	s4 =	sadd.s32 s4, s5;
	[dreg:$0x0] =	wrdreg $0x0  }
0xa9: {  	s5 =	sshll.u32 s28, $0x1;
	[dreg:$0x2] =	wrdreg s4  }
0xaa: {  	[dreg:$0x3] =	wrdreg s5  }
0xab: {  	[dreg:$0x4] =	wrdreg $0xC0  }
0xac: {  	_ =	task [dreg:s8], $0x5FFFF  }
0xad: {  	[dreg:$0x1] =	wrdreg $0xFFFFFFFF  }
0xae: {  	[dreg:$0x0] =	wrdreg $0x60  }
0xaf: {  	[dreg:$0x2] =	wrdreg s2  }
0xb0: {  	[dreg:$0x3] =	wrdreg s19  }
0xb1: {  	[dreg:$0x4] =	wrdreg $0x9  }
0xb2: {  	_ =	task.clear_ibuf [dreg:s8], $0x5FFFF;
	_ =	strace $0x90000046  }
0xb3: {  	s29 =	simm.s32 $0x9;
	_ =	strace $0x80000048  }
0xb4: {  	_ =	swait.ge [sflag:s29], $0x1  }
0xb5: {  	[sflag:s29] =	ssyncadd.s32 $0xFFFFFFFF  }
0xb6: {  	_ =	strace $0x90000048  }
0xb7: {  	_ =	sfence  }
0xb8: {  	s30 =	sld [smem:$0x0];
	_ =	sdelay $0x2  }
0xb9: {  	s31 =	sshll.u32 s1, $0xD;
	s1 =	sshrl.u32 s1, $0x2  }
0xba: {  	s3 =	sand.u32 $0x4000, s31;
	s1 =	sadd.s32 s1, s30  }
0xbb: {  	s0 =	sor.u32 s3, s0;
	s1 =	sshll.u32 s1, $0x11  }
0xbc: {  	s0 =	sor.u32 s1, s0  }
0xbd: {  	s0 =	sadd.s32 $0x8F2B, s0  }
0xbe: {  	[sflag:s0] =	ssyncadd.remote.s32 $0x1  }
0xbf: {  	_ =	sfence.sel $0xFFFF  }
0xc0: {  	[dreg:$0x0] =	wrdreg $0xFFFFFFFF;
	(pc) =	sbr.abs _section_cstart, $3  }
0xc1: {  	[dreg:$0x1] =	wrdreg $0xFFFFFFFF  }
0xc2: {  	_ =	task.clear_ibuf [dreg:s8], $0x2FFFF;
	_ =	strace $0x9FFFFFFF  }
0xc3: {  	(tm) =	ssettm $0x7FFFFFFF  }
tec
execute0_lowered:
.L_overlay_start_1:
0x0: {  	(tag) =	ssettag $0x1  }
0x1: {  	s4 =	rddreg [dreg:$0x0]  }
0x2: {  	s2 =	rddreg [dreg:$0x1]  }
0x3: {  	s0 =	rddreg [dreg:$0x2]  }
0x4: {  	s3 =	simm.s32 $0x0;
	s5 =	srdreg.scid;
	s1 =	stileid.u32  }
0x5: {  	s10 =	simm.s32 $0x800;
	s11 =	simm.s32 $0x2800;
	s12 =	simm.s32 $0x2  }
0x6: {  	s13 =	simm.s32 $0x3;
	s14 =	simm.s32 $0x0;
	[smem:$0x7FF] =	sst s3  }
0x7: {  	s5 =	sand.u32 $0x1, s5;
	s6 =	sshll.u32 s1, $0x1;
	s7 =	sshll.u32 s1, $0x9  }
0x8: {  	_ =	strace $0x80000047;
	s6 =	sor.u32 s5, s6;
	s5 =	ssub.s32 $0x2, s5  }
0x9: {  	s7 =	sand.u32 $0x1800, s7;
	s8 =	sshll.u32 s6, $0x4;
	s9 =	sshrl.u32 s5, $0x1  }
0xa: {  	v1 =	vlaneseq.u32;
	s4 =	sadd.s32 s4, s7;
	s7 =	simm.s32 $0x80;
	s8 =	sand.u32 $0x70, s8  }
0xb: {  	v1 =	vmul.u32 $0x20, v1;
	s31 =	ssub.s32 s5, s9;
	s5 =	sshll.u32 s6, $0x10;
	s9 =	simm.s32 $0x1  }
0xc: {  	v0 =	vimm.f32 $0.0e+00;
	s4 =	sadd.s32 s8, s4;
	s6 =	smax.u32 s31, $0x1;
	s8 =	simm.s32 $0x400  }
.LBB2_1:
0xd: {  	[tilespmem:s3], [sflag:$0x1] =	stream.strided.gather [hbm4b:s4+s7], $0x800, s8, s7, $0x38;
	[tilespmem:$0x4800] =	vst v63  }
0xe: {  	s16 =	simm.s32 $0x820  }
0xf: {  	[tilespmem:s16+$0xFFFFFFF0] =	vst v0  }
0x10: {  	[tilespmem:s16+$0x0] =	vst v0  }
0x11: {  	[tilespmem:s16+$0x10] =	vst v0  }
0x12: {  	s15 =	simm.s32 $0x2820;
	[tilespmem:s16+$0xFFFFFFE0] =	vst v0  }
0x13: {  	[tilespmem:s15+$0xFFFFFFF0] =	vst v0  }
0x14: {  	[tilespmem:s15+$0x0] =	vst v0  }
0x15: {  	[tilespmem:s15+$0x10] =	vst v0  }
0x16: {  	s17 =	simm.s32 $0x860;
	s16 =	simm.s32 $0x0;
	[tilespmem:s15+$0xFFFFFFE0] =	vst v0  }
.LBB2_2:
0x17: {  	[tilespmem:s17+$0xFFFFFFF0] =	vst v0;
	s15 =	sadd.s32 $0x40, s15  }
0x18: {  	s16 =	sadd.s32 $0x40, s16;
	[tilespmem:s15+$0xFFFFFFF0] =	vst v0  }
0x19: {  	p0 =	slt.u32 s16, $0x1FC0;
	[tilespmem:s17+$0x0] =	vst v0  }
.Ltmp0:
0x1a: {  	[tilespmem:s15+$0x0] =	vst v0;
	(pc) =	sbr.rel @p0 .LBB2_2-.Ltmp0, $4  }
0x1b: {  	[tilespmem:s17+$0x10] =	vst v0  }
0x1c: {  	[tilespmem:s15+$0x10] =	vst v0  }
0x1d: {  	[tilespmem:s17+$0xFFFFFFE0] =	vst v0  }
0x1e: {  	s17 =	sadd.s32 $0x40, s17;
	[tilespmem:s15+$0xFFFFFFE0] =	vst v0  }
0x1f: {  	_ =	swait.ge [sflag:s9], $0x800  }
0x20: {  	[sflag:s9] =	ssyncset.done $0x0  }
0x21: {  	s16 =	simm.s32 $0x20;
	[sflag:s9] =	ssyncadd.s32 $0xFFFFF800  }
0x22: {  	v4 =	vld [tilespmem:s16+$0xFFFFFFE0]  }
0x23: {  	v5 =	vld [tilespmem:s16+$0xFFFFFFF0]  }
0x24: {  	v6 =	vld [tilespmem:s16+$0x0];
	_ =	sdelay $0x1  }
0x25: {  	s15 =	simm.s32 $0x60;
	v7 =	vimm.f32 $-Inf;
	v3 =	vld [tilespmem:s16+$0x10]  }
0x26: {  	v2 =	vld [tilespmem:s15+$0x0];
	v7 =	vmax.f32 v7, v4  }
0x27: {  	v4 =	vld [tilespmem:s15+$0xFFFFFFE0];
	v7 =	vmax.f32 v7, v5  }
0x28: {  	s17 =	simm.s32 $0xA0;
	s16 =	simm.s32 $0x40;
	v5 =	vld [tilespmem:s15+$0xFFFFFFF0];
	v6 =	vmax.f32 v7, v6  }
.LBB2_4:
0x29: {  	s16 =	sadd.s32 $0x40, s16  }
0x2a: {  	v7 =	vld [tilespmem:s17+$0x0];
	v6 =	vmax.f32 v6, v3;
	p0 =	slt.u32 s16, $0x7C0  }
.Ltmp1:
0x2b: {  	v3 =	vld [tilespmem:s15+$0x10];
	s15 =	smov.u32 s17;
	(pc) =	sbr.rel @p0 .LBB2_4-.Ltmp1, $4  }
0x2c: {  	_ = 	snop  }
0x2d: {  	v6 =	vmax.f32 v6, v4  }
0x2e: {  	v4 =	vld [tilespmem:s17+$0xFFFFFFE0];
	v6 =	vmax.f32 v6, v5  }
0x2f: {  	s17 =	sadd.s32 $0x40, s17;
	v5 =	vld [tilespmem:s15+$0xFFFFFFF0];
	v6 =	vmax.f32 v6, v2;
	v2 =	vmov v7  }
0x30: {  	_ = 	snop  }
0x31: {  	v7 =	vld [tilespmem:s15+$0x10]  }
0x32: {  	v3 =	vmax.f32 v6, v3  }
0x33: {  	v3 =	vmax.f32 v3, v4  }
0x34: {  	v3 =	vmax.f32 v3, v5  }
0x35: {  	v2 =	vmax.f32 v3, v2  }
0x36: {  	v2 =	vmax.f32 v2, v7  }
0x37: {  	(xrf0) =	vmax.scan.msk.f32 $0xffff, v2;
	_ =	sdelay $0x2  }
0x38: {  	s15 =	simm.s32 $0x20  }
0x39: {  	v3 =	vld [tilespmem:s15+$0xFFFFFFE0];
	_ =	sdelay $0x1  }
0x3a: {  	v2, _, _ =	vpop (xrf0)  }
0x3b: {  	v4 =	vld [tilespmem:s15+$0xFFFFFFF0];
	v2 =	vbroadcast v2, $0xF;
	_ =	sdelay $0x1  }
0x3c: {  	v5 =	vld [tilespmem:s15+$0x0];
	v3 =	vsub.f32 v3, v2;
	_ =	sdelay $0x1  }
0x3d: {  	s16 =	simm.s32 $0x60;
	v6 =	vld [tilespmem:s15+$0x10];
	v3 =	vmul.f32 $1.442695020e+00, v3  }
0x3e: {  	v7 =	vld [tilespmem:s16+$0xFFFFFFF0];
	v4 =	vsub.f32 v4, v2  }
0x3f: {  	(erf) = vpow2.f32 v3;
	v3 =	vld [tilespmem:s16+$0xFFFFFFE0]  }
0x40: {  	v5 =	vsub.f32 v5, v2;
	v4 =	vmul.f32 $1.442695020e+00, v4;
	_ =	sdelay $0x1  }
0x41: {  	v6 =	vsub.f32 v6, v2;
	v5 =	vmul.f32 $1.442695020e+00, v5;
	(erf) = vpow2.f32 v4  }
0x42: {  	v7 =	vsub.f32 v7, v2;
	v4 =	vld [tilespmem:s16+$0x0]  }
0x43: {  	v6 =	vmul.f32 $1.442695020e+00, v6;
	(erf) = vpow2.f32 v5;
	v5 =	vld [tilespmem:s16+$0x10];
	v3 =	vsub.f32 v3, v2  }
0x44: {  	s17 =	simm.s32 $0xA0  }
0x45: {  	v8 =	vld [tilespmem:s17+$0xFFFFFFE0];
	(erf) = vpow2.f32 v6;
	v3 =	vmul.f32 $1.442695020e+00, v3;
	_ =	sdelay $0x1  }
0x46: {  	v10 =	vld [tilespmem:s17+$0xFFFFFFF0];
	v6 =	vmul.f32 $1.442695020e+00, v7;
	v4 =	vsub.f32 v4, v2;
	v7 =	vpop (erf);
	(erf) = vpow2.f32 v3  }
0x47: {  	v9 =	vimm.f32 $0.0e+00;
	v5 =	vsub.f32 v5, v2  }
0x48: {  	v11 =	vmul.f32 $1.442695020e+00, v4;
	v4 =	vld [tilespmem:s17+$0x0];
	v9 =	vadd.f32 v7, v9;
	(erf) = vpow2.f32 v6  }
0x49: {  	[tilespmem:s15+$0xFFFFFFE0] =	vst v7;
	v6 =	vsub.f32 v8, v2;
	v7 =	vpop (erf)  }
0x4a: {  	v3 =	vld [tilespmem:s17+$0x10];
	v8 =	vmul.f32 $1.442695020e+00, v5;
	(erf) = vpow2.f32 v11;
	v9 =	vadd.f32 v7, v9  }
0x4b: {  	s18 =	simm.s32 $0x80;
	s19 =	simm.s32 $0xE0;
	[tilespmem:s15+$0xFFFFFFF0] =	vst v7;
	v5 =	vpop (erf);
	v7 =	vsub.f32 v10, v2  }
.LBB2_6:
0x4c: {  	v10 =	vld [tilespmem:s19+$0xFFFFFFE0];
	v6 =	vmul.f32 $1.442695020e+00, v6;
	(erf) = vpow2.f32 v8;
	[tilespmem:s15+$0x0] =	vst v5;
	v5 =	vadd.f32 v5, v9  }
0x4d: {  	s18 =	sadd.s32 $0x40, s18;
	v8 =	vsub.f32 v4, v2;
	v4 =	vpop (erf)  }
0x4e: {  	p0 =	slt.u32 s18, $0x7C0;
	v13 =	vmul.f32 $1.442695020e+00, v7;
	v11 =	vld [tilespmem:s19+$0xFFFFFFF0];
	(erf) = vpow2.f32 v6;
	[tilespmem:s15+$0x10] =	vst v4;
	v5 =	vadd.f32 v4, v5;
	s15 =	smov.u32 s16;
	s16 =	smov.u32 s17  }
.Ltmp2:
0x4f: {  	s17 =	smov.u32 s19;
	v9 =	vsub.f32 v3, v2;
	v3 =	vpop (erf);
	(pc) =	sbr.rel @p0 .LBB2_6-.Ltmp2, $4  }
0x50: {  	v12 =	vmul.f32 $1.442695020e+00, v8;
	v4 =	vld [tilespmem:s19+$0x0];
	(erf) = vpow2.f32 v13;
	[tilespmem:s15+$0xFFFFFFE0] =	vst v3;
	v13 =	vadd.f32 v3, v5  }
0x51: {  	v6 =	vsub.f32 v10, v2;
	v7 =	vpop (erf)  }
0x52: {  	v8 =	vmul.f32 $1.442695020e+00, v9;
	v3 =	vld [tilespmem:s19+$0x10];
	(erf) = vpow2.f32 v12;
	[tilespmem:s15+$0xFFFFFFF0] =	vst v7;
	v9 =	vadd.f32 v7, v13  }
0x53: {  	s19 =	sadd.s32 $0x40, s19;
	v7 =	vsub.f32 v11, v2;
	v5 =	vpop (erf)  }
0x54: {  	v6 =	vmul.f32 $1.442695020e+00, v6;
	(erf) = vpow2.f32 v8;
	v56 =	vadd.f32 v5, v9  }
0x55: {  	v4 =	vsub.f32 v4, v2;
	v57 =	vpop (erf)  }
0x56: {  	v7 =	vmul.f32 $1.442695020e+00, v7;
	(erf) = vpow2.f32 v6;
	v58 =	vadd.f32 v57, v56  }
0x57: {  	v2 =	vsub.f32 v3, v2;
	v3 =	vpop (erf)  }
0x58: {  	v4 =	vmul.f32 $1.442695020e+00, v4;
	(erf) = vpow2.f32 v7;
	v6 =	vadd.f32 v3, v58  }
0x59: {  	v59 =	vpop (erf)  }
0x5a: {  	v2 =	vmul.f32 $1.442695020e+00, v2;
	(erf) = vpow2.f32 v4;
	v60 =	vadd.f32 v59, v6  }
0x5b: {  	v61 =	vpop (erf)  }
0x5c: {  	(erf) = vpow2.f32 v2;
	v2 =	vadd.f32 v61, v60  }
0x5d: {  	v62 =	vpop (erf)  }
0x5e: {  	v2 =	vadd.f32 v62, v2  }
0x5f: {  	v63 =	vpop (erf)  }
0x60: {  	v2 =	vadd.f32 v63, v2  }
0x61: {  	v10 =	vpop (erf)  }
0x62: {  	v2 =	vadd.f32 v10, v2  }
0x63: {  	v11 =	vpop (erf)  }
0x64: {  	v2 =	vadd.f32 v11, v2  }
0x65: {  	v12 =	vpop (erf)  }
0x66: {  	v2 =	vadd.f32 v12, v2;
	_ =	sdelay $0x1  }
0x67: {  	(xrf2) =	vadd.scan.msk.f32 $0xffff, v2;
	_ =	sdelay $0x9  }
0x68: {  	v2, _, _ =	vpop (xrf2)  }
0x69: {  	v2 =	vadd.f32 $0.0e+00, v2;
	_ =	sdelay $0x1  }
0x6a: {  	v2 =	vbroadcast v2, $0xF;
	_ =	sdelay $0x1  }
0x6b: {  	[tilespmem:s15+$0x0] =	vst v5;
	(erf) = vrcp.f32 v2  }
0x6c: {  	[tilespmem:s15+$0x10] =	vst v57  }
0x6d: {  	[tilespmem:s16+$0xFFFFFFE0] =	vst v3  }
0x6e: {  	[tilespmem:s16+$0xFFFFFFF0] =	vst v59  }
0x6f: {  	[tilespmem:s16+$0x0] =	vst v61  }
0x70: {  	[tilespmem:s16+$0x10] =	vst v62  }
0x71: {  	[tilespmem:s17+$0xFFFFFFE0] =	vst v63  }
0x72: {  	[tilespmem:s17+$0xFFFFFFF0] =	vst v10  }
0x73: {  	[tilespmem:s17+$0x0] =	vst v11  }
0x74: {  	s15 =	simm.s32 $0x0;
	[tilespmem:s17+$0x10] =	vst v12;
	v2 =	vpop (erf)  }
.LBB2_8:
0x75: {  	p0 =	seq.s32 s15, $0x0  }
0x76: {  	s16 =	sshll.u32 s15, $0x9;
	s18 =	simm.s32 $0x0;
	s17 =	simm.s32 @!p0 $0x2  }
0x77: {  	s16 =	sand.u32 $0x3FFFFE00, s16;
	s19 =	sand.u32 $0x80, s18;
	_ =	swait.ge @!p0 [sflag:s17], $0x2000  }
0x78: {  	s18 =	sand.u32 $0x60, s18;
	s19 =	sadd.s32 s19, s16;
	[sflag:s17] =	ssyncset.done @!p0 $0x0  }
0x79: {  	s28 =	simm.s32 $0x10;
	s18 =	sadd.s32 s18, s19;
	[sflag:s17] =	ssyncadd.s32 @!p0 $0xFFFFE000  }
0x7a: {  	s17 =	sand.u32 $0x70, s28;
	v3 =	vld [tilespmem:s18+$0x0]  }
0x7b: {  	s29 =	simm.s32 $0x0;
	s17 =	sadd.s32 s17, s19  }
0x7c: {  	v7 =	vor.u32 s29, v1;
	s18 =	simm.s32 $0x20;
	v5 =	vld [tilespmem:s17+$0x0]  }
0x7d: {  	s21 =	simm.s32 $0x200;
	s30 =	sand.u32 $0x80, s18  }
0x7e: {  	s31 =	simm.s32 $0x30;
	v4 =	vor.u32 s21, v1;
	s20 =	sand.u32 $0x60, s18;
	s17 =	sadd.s32 s30, s16  }
0x7f: {  	s19 =	sand.u32 $0x70, s31;
	s20 =	sadd.s32 s20, s17;
	v8 =	vmul.f32 v3, v2  }
0x80: {  	s22 =	sadd.s32 s19, s17;
	v3 =	vld [tilespmem:s20+$0x0]  }
0x81: {  	s17 =	sshll.u32 s15, $0x1;
	s19 =	simm.s32 $0x600;
	s20 =	simm.s32 $0x400;
	v6 =	vmul.f32 v5, v2;
	v5 =	vld [tilespmem:s22+$0x0];
	[tilespmem:v7+s10+$0x0] =	vst.idx.msk $0xffff, v8  }
.LBB2_9:
0x82: {  	v7 =	vor.u32 s20, v1;
	s20 =	smov.u32 s18;
	s18 =	sadd.s32 $0x20, s18  }
0x83: {  	[tilespmem:v4+s10+$0x0] =	vst.idx.msk $0xffff, v6;
	p1 =	slt.u32 s18, $0xE0  }
.Ltmp3:
0x84: {  	v4 =	vor.u32 s19, v1;
	s21 =	sand.u32 $0x80, s18;
	s20 =	sadd.s32 $0x30, s20;
	(pc) =	sbr.rel @p1 .LBB2_9-.Ltmp3, $4  }
0x85: {  	s22 =	sand.u32 $0x60, s18;
	s21 =	sadd.s32 s21, s16;
	s20 =	sand.u32 $0x70, s20  }
0x86: {  	s22 =	sadd.s32 s22, s21;
	s21 =	sadd.s32 s20, s21;
	v8 =	vmul.f32 v3, v2  }
0x87: {  	s19 =	sadd.s32 $0x400, s19;
	v3 =	vld [tilespmem:s22+$0x0];
	v6 =	vmul.f32 v5, v2  }
0x88: {  	s20 =	sadd.s32 $0xFFFFFE00, s19;
	v5 =	vld [tilespmem:s21+$0x0];
	[tilespmem:v7+s10+$0x0] =	vst.idx.msk $0xffff, v8  }
0x89: {  	v7 =	vor.u32 s20, v1  }
0x8a: {  	v8 =	vor.u32 s19, v1;
	_ =	sdelay $0x1  }
0x8b: {  	s16 =	sshll.u32 s15, $0xE;
	v3 =	vmul.f32 v3, v2  }
0x8c: {  	[tilespmem:v4+s10+$0x0] =	vst.idx.msk $0xffff, v6;
	s16 =	sadd.s32 s5, s16;
	v4 =	vmul.f32 v5, v2  }
0x8d: {  	s16 =	sshrl.u32 s16, $0x3;
	[tilespmem:v7+s10+$0x0] =	vst.idx.msk $0xffff, v3  }
0x8e: {  	s16 =	sadd.s32 s2, s16;
	[tilespmem:v8+s10+$0x0] =	vst.idx.msk $0xffff, v4  }
0x8f: {  	[hbm4b:s16+s3] =	stream.linear.scatter [tilespmem:s10], [sflag:$0x2], $0x2000, $0x38;
	[tilespmem:$0x4800] =	vst v63  }
0x90: {  	s16 =	sor.u32 $0x1, s17  }
0x91: {  	s18 =	simm.s32 @!p0 $0x3;
	s24 =	simm.s32 $0x0;
	s17 =	sshll.u32 s16, $0x8  }
0x92: {  	s25 =	sand.u32 $0x80, s24;
	_ =	swait.ge @!p0 [sflag:s18], $0x2000;
	s17 =	sand.u32 $0x3FFFFF00, s17  }
0x93: {  	s19 =	sand.u32 $0x60, s24;
	[sflag:s18] =	ssyncset.done @!p0 $0x0;
	s20 =	sadd.s32 s25, s17  }
0x94: {  	s26 =	simm.s32 $0x10;
	[sflag:s18] =	ssyncadd.s32 @!p0 $0xFFFFE000;
	s19 =	sadd.s32 s19, s20  }
0x95: {  	s18 =	sand.u32 $0x70, s26;
	v3 =	vld [tilespmem:s19+$0x0]  }
0x96: {  	s28 =	simm.s32 $0x0;
	s18 =	sadd.s32 s18, s20  }
0x97: {  	v7 =	vor.u32 s28, v1;
	v5 =	vld [tilespmem:s18+$0x0];
	s18 =	simm.s32 $0x20  }
0x98: {  	s31 =	simm.s32 $0x200;
	s29 =	sand.u32 $0x80, s18  }
0x99: {  	s30 =	simm.s32 $0x30;
	v4 =	vor.u32 s31, v1;
	s21 =	sand.u32 $0x60, s18;
	s19 =	sadd.s32 s29, s17  }
0x9a: {  	s20 =	sand.u32 $0x70, s30;
	s21 =	sadd.s32 s21, s19;
	v8 =	vmul.f32 v3, v2  }
0x9b: {  	s22 =	sadd.s32 s20, s19;
	v3 =	vld [tilespmem:s21+$0x0]  }
0x9c: {  	s19 =	simm.s32 $0x600;
	s20 =	simm.s32 $0x400;
	v6 =	vmul.f32 v5, v2;
	v5 =	vld [tilespmem:s22+$0x0];
	[tilespmem:v7+s11+$0x0] =	vst.idx.msk $0xffff, v8  }
.LBB2_11:
0x9d: {  	v7 =	vor.u32 s20, v1;
	s20 =	smov.u32 s18;
	s18 =	sadd.s32 $0x20, s18  }
0x9e: {  	[tilespmem:v4+s11+$0x0] =	vst.idx.msk $0xffff, v6;
	p0 =	slt.u32 s18, $0xE0  }
.Ltmp4:
0x9f: {  	v4 =	vor.u32 s19, v1;
	s21 =	sand.u32 $0x80, s18;
	s20 =	sadd.s32 $0x30, s20;
	(pc) =	sbr.rel @p0 .LBB2_11-.Ltmp4, $4  }
0xa0: {  	s22 =	sand.u32 $0x60, s18;
	s21 =	sadd.s32 s21, s17;
	s20 =	sand.u32 $0x70, s20  }
0xa1: {  	s22 =	sadd.s32 s22, s21;
	s21 =	sadd.s32 s20, s21;
	v8 =	vmul.f32 v3, v2  }
0xa2: {  	s19 =	sadd.s32 $0x400, s19;
	v3 =	vld [tilespmem:s22+$0x0];
	v6 =	vmul.f32 v5, v2  }
0xa3: {  	s20 =	sadd.s32 $0xFFFFFE00, s19;
	v5 =	vld [tilespmem:s21+$0x0];
	[tilespmem:v7+s11+$0x0] =	vst.idx.msk $0xffff, v8  }
0xa4: {  	v7 =	vor.u32 s20, v1  }
0xa5: {  	v8 =	vor.u32 s19, v1;
	s15 =	sadd.s32 $0x1, s15  }
0xa6: {  	p0 =	sne.s32 s15, $0x4  }
.Ltmp5:
0xa7: {  	s16 =	sshll.u32 s16, $0xD;
	v3 =	vmul.f32 v3, v2;
	(pc) =	sbr.rel @p0 .LBB2_8-.Ltmp5, $4  }
0xa8: {  	[tilespmem:v4+s11+$0x0] =	vst.idx.msk $0xffff, v6;
	s16 =	sadd.s32 s5, s16;
	v63 =	vmul.f32 v5, v2  }
0xa9: {  	s16 =	sshrl.u32 s16, $0x3;
	[tilespmem:v7+s11+$0x0] =	vst.idx.msk $0xffff, v3  }
0xaa: {  	s16 =	sadd.s32 s2, s16;
	[tilespmem:v8+s11+$0x0] =	vst.idx.msk $0xffff, v63  }
0xab: {  	[hbm4b:s16+s3] =	stream.linear.scatter [tilespmem:s11], [sflag:$0x3], $0x2000, $0x38;
	[tilespmem:$0x4800] =	vst v63  }
0xac: {  	s14 =	sadd.s32 $0x1, s14  }
0xad: {  	_ =	swait.ge [sflag:s12], $0x2000;
	p0 =	sne.s32 s14, s6  }
.Ltmp6:
0xae: {  	[sflag:s12] =	ssyncset.done $0x0;
	(pc) =	sbr.rel @p0 .LBB2_1-.Ltmp6, $4  }
0xaf: {  	[sflag:s12] =	ssyncadd.s32 $0xFFFFE000  }
0xb0: {  	_ =	swait.ge [sflag:s13], $0x2000  }
0xb1: {  	[sflag:s13] =	ssyncset.done $0x0  }
0xb2: {  	[sflag:s13] =	ssyncadd.s32 $0xFFFFE000  }
0xb3: {  	_ =	sfence.sel $0x180000  }
0xb4: {  	[bflag:$0x0] =	sbarrier.arrive $0xFFFF  }
0xb5: {  	p0 =	sne.s32 s1, $0x0;
	_ =	strace $0x90000047  }
0xb6: {  	s0 =	sadd.s32 @!p0 $0x100000, s0;
	[bflag:$0x2] =	sbarrier.arrive $0xFFFF  }
0xb7: {  	[sflag:s0] =	ssyncadd.tile.s32 @!p0 $0x1;
	_ =	shalt  }
.Lfunc_end2:
_tile_overlayer_lowered:
.L_overlay_start_2:
0xb8: {  	(tag) =	ssettag $0x2  }
0xb9: {  	s0 =	rddreg [dreg:$0x0];
	s2 =	stileid.u32  }
0xba: {  	s1 =	rddreg [dreg:$0x1];
	p0 =	sne.s32 s2, $0x0  }
0xbb: {  	s3 =	rddreg [dreg:$0x2];
	[bflag:$0x3] =	sbarrier.arrive $0xFFFF;
	s2 =	simm.s32 @!p0 $0x1C04  }
0xbc: {  	[timem:s3], [sflag:s2] =	dma.local @!p0 [hbm:s0], s1  }
0xbd: {  	s0 =	simm.s32 @!p0 $0x4  }
0xbe: {  	_ =	swait.ge @!p0 [sflag:s0], s1  }
0xbf: {  	s1 =	ssub.s32 @!p0 $0x0, s1;
	[sflag:s0] =	ssyncset.done @!p0 $0x0  }
0xc0: {  	[sflag:s0] =	ssyncadd.s32 @!p0 s1  }
0xc1: {  	[bflag:$0x3] =	sbarrier.arrive $0xFFFF  }
0xc2: {  	_ =	shalt  }

</sc_bundles>
